<compile_context>
chip_gen: v7x
topology: tpu7x:2x2x1
jax: 0.10.2.dev20260603
libtpu: 0.0.44.dev20260713+nightly
codegen_flags: <defaults>
</compile_context>

<pallas_src>
import functools

import jax
import jax.numpy as jnp
from jax import lax
from jax.experimental import pallas as pl
from jax.experimental.pallas import tpu as pltpu
from jax.experimental.pallas import tpu_sc as plsc

V = 100000
D = 256
NB = 4096
NL = 26
PPC = D // 2
BLK = 8
NBLK = PPC // BLK
LSPLIT = NL // 2


def _sc_gather_t(tableT, idxT):
    mesh = plsc.VectorSubcoreMesh(core_axis_name="c", subcore_axis_name="s")

    @functools.partial(
        pl.kernel,
        mesh=mesh,
        out_type=jax.ShapeDtypeStruct((NL * D, NB), jnp.float32),
        scratch_types=[
            pltpu.VMEM_SHARED((32, NB), jnp.int32),
            *[pltpu.VMEM((NB,), jnp.int32) for _ in range(2)],
            *[pltpu.VMEM((NB,), jnp.float32) for _ in range(2)],
            pltpu.VMEM((V,), jnp.float32),
            *[pltpu.SemaphoreType.DMA for _ in range(4)],
        ],
        compiler_params=pltpu.CompilerParams(needs_layout_passes=False),
    )
    def k(tableT_hbm, idxT_hbm, out_hbm, sh_idx,
          idx0, idx1, row0, row1, plane_v, isem0, isem1, wsem0, wsem1):
        idx_v = (idx0, idx1)
        row_v = (row0, row1)
        isem = (isem0, isem1)
        wsem = (wsem0, wsem1)
        cid = lax.axis_index("c")
        sid = lax.axis_index("s")
        wid = cid * 16 + sid

        @pl.when(sid == 0)
        def _():
            pltpu.sync_copy(idxT_hbm, sh_idx)

        plsc.subcore_barrier()

        def idx_cp(l, par):
            return pltpu.make_async_copy(sh_idx.at[l], idx_v[par], isem[par])

        def wr_cp(l, p, par):
            return pltpu.make_async_copy(
                row_v[par], out_hbm.at[l * D + p], wsem[par])

        def plane(j, _):
            p = wid * BLK + j
            pltpu.sync_copy(tableT_hbm.at[p], plane_v)

            plane_lo = plane_v.at[pl.ds(0, 65536)]
            plane_hi = plane_v.at[pl.ds(65536, V - 65536)]

            idx_cp(0, 0).start()

            def do_l(l, par):
                idx_cp(l, par).wait()

                @pl.when(l + 1 < NL)
                def _():
                    idx_cp(l + 1, 1 - par).start()

                @pl.when(l >= 2)
                def _():
                    wr_cp(l - 2, p, par).wait()

                @plsc.parallel_loop(0, NB // 16, 1, unroll=8)
                def _(kk):
                    bvec = idx_v[par][pl.ds(kk * 16, 16)]
                    m = bvec & 65535
                    lo = plsc.load_gather(plane_lo, [m])
                    hi = plsc.load_gather(
                        plane_hi, [jnp.minimum(m, V - 65536 - 1)])
                    row_v[par][pl.ds(kk * 16, 16)] = jnp.where(
                        bvec < 65536, lo, hi)

                wr_cp(l, p, par).start()

            def pair(ll, _):
                do_l(2 * ll, 0)
                do_l(2 * ll + 1, 1)
                return ()

            lax.fori_loop(0, NL // 2, pair, ())
            wr_cp(NL - 2, p, 0).wait()
            wr_cp(NL - 1, p, 1).wait()
            return ()

        lax.fori_loop(0, BLK, plane, ())

    return k(tableT, idxT)


def kernel(inputs, embedding):
    tableT = embedding.reshape(V, D).T
    idxT = jnp.pad(inputs.T.astype(jnp.int32), ((0, 32 - NL), (0, 0)))
    out2 = _sc_gather_t(tableT, idxT)
    outT = out2.reshape(NL, 16, 16, NB)
    return outT.transpose(3, 0, 1, 2)

# --- scband reference (transcript-rebuilt; emitter-appended) ---
"""Pipeline reference for scband-embedding3-d-37065567764569 (READ-ONLY COPY).

The authoritative reference and input builder live on the scoring server;
editing this copy changes nothing except your own understanding.
"""

import jax, jax.numpy as jnp
import numpy as np

CORPUS_SIZE = 100000
OUTPUT_SHAPE = (16, 16)

def setup_inputs(seed: int = 0) -> dict:
    key = jax.random.key(seed)
    k1, k2 = jax.random.split(key)
    inputs = jax.random.randint(k1, (4096, 26), 0, CORPUS_SIZE, dtype=jnp.int64 if jax.config.read('jax_enable_x64') else jnp.int32)
    embedding = jax.random.normal(k2, (CORPUS_SIZE,) + OUTPUT_SHAPE, dtype=jnp.float32)
    return {"inputs": inputs, "embedding": embedding}

def reference(inputs, embedding):
    # torch: torch.stack([self.embedding[o] for o in inputs], dim=0)
    # Each o is a row of indices [L]; embedding[o] -> [L, *output_shape];
    # stacking over the batch dim is equivalent to a gather on axis 0.
    return jnp.take(embedding, inputs, axis=0)

if __name__ == "__main__":
    import jax
    _d = setup_inputs()
    print(jax.jit(kernel)(*tuple(_d.values())))

</pallas_src>

<mosaic_0001>
#map = affine_map<(d0, d1) -> (0, 0)>
module attributes {stable_mosaic.version = 14 : i64} {
  func.func @k(%arg0: i32, %arg1: i32, %arg2: memref<256x100000xf32, #tpu.memory_space<hbm>>, %arg3: memref<32x4096xi32, #tpu.memory_space<hbm>>, %arg4: memref<6656x4096xf32, #tpu.memory_space<hbm>>, %arg5: memref<32x4096xi32, #tpu.memory_space<vmem_shared>>, %arg6: memref<4096xi32, #tpu.memory_space<vmem>>, %arg7: memref<4096xi32, #tpu.memory_space<vmem>>, %arg8: memref<4096xf32, #tpu.memory_space<vmem>>, %arg9: memref<4096xf32, #tpu.memory_space<vmem>>, %arg10: memref<100000xf32, #tpu.memory_space<vmem>>, %arg11: memref<!tpu.dma_semaphore, #tpu.memory_space<semaphore_mem>>, %arg12: memref<!tpu.dma_semaphore, #tpu.memory_space<semaphore_mem>>, %arg13: memref<!tpu.dma_semaphore, #tpu.memory_space<semaphore_mem>>, %arg14: memref<!tpu.dma_semaphore, #tpu.memory_space<semaphore_mem>>) attributes {dimension_semantics = [#tpu.dimension_semantics<core_parallel>, #tpu.dimension_semantics<subcore_parallel>], iteration_bounds = array<i64: 2, 16>, scalar_prefetch = 0 : i64, scratch_operands = 10 : i64, tpu.core_type = #tpu.core_type<sc_vector_subcore>, window_params = [{transform_indices = #map}, {transform_indices = #map}, {transform_indices = #map}]} {
    %mul3A = arith.constant 16 : i32
    %mul3A_0 = arith.muli %arg0, %mul3A : i32
    %add3A = arith.addi %mul3A_0, %arg1 : i32
    %eq3A = arith.constant 0 : i32
    %eq3A_1 = arith.cmpi eq, %arg1, %eq3A : i32
    %convert_element_type3A = arith.extui %eq3A_1 : i1 to i32
    %cond3A = arith.constant 0 : i32
    %cond3A_2 = arith.cmpi ne, %convert_element_type3A, %cond3A : i32
    scf.if %cond3A_2 {
      "tpu.region"() ({
        %run_scoped3A = tpu.sem_alloc : memref<!tpu.dma_semaphore, #tpu.memory_space<semaphore_mem>>
        tpu.enqueue_dma source(%arg3 : memref<32x4096xi32, #tpu.memory_space<hbm>>) target(%arg5 : memref<32x4096xi32, #tpu.memory_space<vmem_shared>>) target_semaphore(%run_scoped3A : memref<!tpu.dma_semaphore, #tpu.memory_space<semaphore_mem>>)
        tpu.wait_dma2 semaphore(%run_scoped3A : memref<!tpu.dma_semaphore, #tpu.memory_space<semaphore_mem>>) src(%arg3 : memref<32x4096xi32, #tpu.memory_space<hbm>>) dst(%arg5 : memref<32x4096xi32, #tpu.memory_space<vmem_shared>>)
        tpu.yield
      }) : () -> ()
    } else {
    }
    %barrier3A = arith.constant 0 : index
    tpu.barrier barrier_id(%barrier3A)
    %scan3A = arith.constant 0 : i32
    %scan3A_3 = arith.constant 8 : i32
    %scan3A_4 = arith.addi %scan3A, %scan3A_3 : i32
    %scan3A_5 = arith.constant 1 : i32
    scf.for %scan3A_7 = %scan3A to %scan3A_4 step %scan3A_5  : i32 {
      %mul3A_8 = arith.constant 8 : i32
      %mul3A_9 = arith.muli %add3A, %mul3A_8 : i32
      %add3A_10 = arith.addi %mul3A_9, %scan3A_7 : i32
      "tpu.region"() ({
        %run_scoped3A = tpu.sem_alloc : memref<!tpu.dma_semaphore, #tpu.memory_space<semaphore_mem>>
        %dma_start3A_37 = arith.constant 0 : i32
        %dma_start3A_38 = tpu.memref_slice %arg2[%add3A_10, %dma_start3A_37] : memref<256x100000xf32, #tpu.memory_space<hbm>> -> memref<1x100000xf32, #tpu.memory_space<hbm>>
        %dma_start3A_39 = tpu.memref_squeeze %dma_start3A_38 : memref<1x100000xf32, #tpu.memory_space<hbm>> -> memref<100000xf32, #tpu.memory_space<hbm>>
        %dma_start3A_40 = arith.constant 0 : i32
        %dma_start3A_41 = tpu.memref_slice %arg2[%add3A_10, %dma_start3A_40] : memref<256x100000xf32, #tpu.memory_space<hbm>> -> memref<1x100000xf32, #tpu.memory_space<hbm>>
        %dma_start3A_42 = tpu.memref_squeeze %dma_start3A_41 : memref<1x100000xf32, #tpu.memory_space<hbm>> -> memref<100000xf32, #tpu.memory_space<hbm>>
        tpu.enqueue_dma source(%dma_start3A_42 : memref<100000xf32, #tpu.memory_space<hbm>>) target(%arg10 : memref<100000xf32, #tpu.memory_space<vmem>>) target_semaphore(%run_scoped3A : memref<!tpu.dma_semaphore, #tpu.memory_space<semaphore_mem>>)
        %dma_wait3A_43 = arith.constant 0 : i32
        %dma_wait3A_44 = tpu.memref_slice %arg2[%add3A_10, %dma_wait3A_43] : memref<256x100000xf32, #tpu.memory_space<hbm>> -> memref<1x100000xf32, #tpu.memory_space<hbm>>
        %dma_wait3A_45 = tpu.memref_squeeze %dma_wait3A_44 : memref<1x100000xf32, #tpu.memory_space<hbm>> -> memref<100000xf32, #tpu.memory_space<hbm>>
        %dma_wait3A_46 = arith.constant 0 : i32
        %dma_wait3A_47 = tpu.memref_slice %arg2[%add3A_10, %dma_wait3A_46] : memref<256x100000xf32, #tpu.memory_space<hbm>> -> memref<1x100000xf32, #tpu.memory_space<hbm>>
        %dma_wait3A_48 = tpu.memref_squeeze %dma_wait3A_47 : memref<1x100000xf32, #tpu.memory_space<hbm>> -> memref<100000xf32, #tpu.memory_space<hbm>>
        tpu.wait_dma2 semaphore(%run_scoped3A : memref<!tpu.dma_semaphore, #tpu.memory_space<semaphore_mem>>) src(%dma_wait3A_48 : memref<100000xf32, #tpu.memory_space<hbm>>) dst(%arg10 : memref<100000xf32, #tpu.memory_space<vmem>>)
        tpu.yield
      }) : () -> ()
      %dma_start3A = arith.constant 0 : i32
      %dma_start3A_11 = arith.constant 0 : i32
      %dma_start3A_12 = tpu.memref_slice %arg5[%dma_start3A, %dma_start3A_11] : memref<32x4096xi32, #tpu.memory_space<vmem_shared>> -> memref<1x4096xi32, #tpu.memory_space<vmem_shared>>
      %dma_start3A_13 = tpu.memref_squeeze %dma_start3A_12 : memref<1x4096xi32, #tpu.memory_space<vmem_shared>> -> memref<4096xi32, #tpu.memory_space<vmem_shared>>
      %dma_start3A_14 = arith.constant 0 : i32
      %dma_start3A_15 = tpu.memref_slice %arg5[%dma_start3A, %dma_start3A_14] : memref<32x4096xi32, #tpu.memory_space<vmem_shared>> -> memref<1x4096xi32, #tpu.memory_space<vmem_shared>>
      %dma_start3A_16 = tpu.memref_squeeze %dma_start3A_15 : memref<1x4096xi32, #tpu.memory_space<vmem_shared>> -> memref<4096xi32, #tpu.memory_space<vmem_shared>>
      tpu.enqueue_dma source(%dma_start3A_16 : memref<4096xi32, #tpu.memory_space<vmem_shared>>) target(%arg6 : memref<4096xi32, #tpu.memory_space<vmem>>) target_semaphore(%arg11 : memref<!tpu.dma_semaphore, #tpu.memory_space<semaphore_mem>>)
      %scan3A_17 = arith.constant 0 : i32
      %scan3A_18 = arith.constant 13 : i32
      %scan3A_19 = arith.addi %scan3A_17, %scan3A_18 : i32
      %scan3A_20 = arith.constant 1 : i32
      scf.for %scan3A_37 = %scan3A_17 to %scan3A_19 step %scan3A_20  : i32 {
        %mul3A_38 = arith.constant 2 : i32
        %mul3A_39 = arith.muli %mul3A_38, %scan3A_37 : i32
        %dma_wait3A_40 = arith.constant 0 : i32
        %dma_wait3A_41 = tpu.memref_slice %arg5[%mul3A_39, %dma_wait3A_40] : memref<32x4096xi32, #tpu.memory_space<vmem_shared>> -> memref<1x4096xi32, #tpu.memory_space<vmem_shared>>
        %dma_wait3A_42 = tpu.memref_squeeze %dma_wait3A_41 : memref<1x4096xi32, #tpu.memory_space<vmem_shared>> -> memref<4096xi32, #tpu.memory_space<vmem_shared>>
        %dma_wait3A_43 = arith.constant 0 : i32
        %dma_wait3A_44 = tpu.memref_slice %arg5[%mul3A_39, %dma_wait3A_43] : memref<32x4096xi32, #tpu.memory_space<vmem_shared>> -> memref<1x4096xi32, #tpu.memory_space<vmem_shared>>
        %dma_wait3A_45 = tpu.memref_squeeze %dma_wait3A_44 : memref<1x4096xi32, #tpu.memory_space<vmem_shared>> -> memref<4096xi32, #tpu.memory_space<vmem_shared>>
        tpu.wait_dma2 semaphore(%arg11 : memref<!tpu.dma_semaphore, #tpu.memory_space<semaphore_mem>>) src(%dma_wait3A_45 : memref<4096xi32, #tpu.memory_space<vmem_shared>>) dst(%arg6 : memref<4096xi32, #tpu.memory_space<vmem>>)
        %add3A_46 = arith.constant 1 : i32
        %add3A_47 = arith.addi %mul3A_39, %add3A_46 : i32
        %lt3A = arith.constant 26 : i32
        %lt3A_48 = arith.cmpi slt, %add3A_47, %lt3A : i32
        %convert_element_type3A_49 = arith.extui %lt3A_48 : i1 to i32
        %cond3A_50 = arith.constant 0 : i32
        %cond3A_51 = arith.cmpi ne, %convert_element_type3A_49, %cond3A_50 : i32
        scf.if %cond3A_51 {
          %add3A_101 = arith.constant 1 : i32
          %add3A_102 = arith.addi %mul3A_39, %add3A_101 : i32
          %dma_start3A_103 = arith.constant 0 : i32
          %dma_start3A_104 = tpu.memref_slice %arg5[%add3A_102, %dma_start3A_103] : memref<32x4096xi32, #tpu.memory_space<vmem_shared>> -> memref<1x4096xi32, #tpu.memory_space<vmem_shared>>
          %dma_start3A_105 = tpu.memref_squeeze %dma_start3A_104 : memref<1x4096xi32, #tpu.memory_space<vmem_shared>> -> memref<4096xi32, #tpu.memory_space<vmem_shared>>
          %dma_start3A_106 = arith.constant 0 : i32
          %dma_start3A_107 = tpu.memref_slice %arg5[%add3A_102, %dma_start3A_106] : memref<32x4096xi32, #tpu.memory_space<vmem_shared>> -> memref<1x4096xi32, #tpu.memory_space<vmem_shared>>
          %dma_start3A_108 = tpu.memref_squeeze %dma_start3A_107 : memref<1x4096xi32, #tpu.memory_space<vmem_shared>> -> memref<4096xi32, #tpu.memory_space<vmem_shared>>
          tpu.enqueue_dma source(%dma_start3A_108 : memref<4096xi32, #tpu.memory_space<vmem_shared>>) target(%arg7 : memref<4096xi32, #tpu.memory_space<vmem>>) target_semaphore(%arg12 : memref<!tpu.dma_semaphore, #tpu.memory_space<semaphore_mem>>)
        } else {
        }
        %ge3A = arith.constant 2 : i32
        %ge3A_52 = arith.cmpi sge, %mul3A_39, %ge3A : i32
        %convert_element_type3A_53 = arith.extui %ge3A_52 : i1 to i32
        %cond3A_54 = arith.constant 0 : i32
        %cond3A_55 = arith.cmpi ne, %convert_element_type3A_53, %cond3A_54 : i32
        scf.if %cond3A_55 {
          %sub3A = arith.constant 2 : i32
          %sub3A_101 = arith.subi %mul3A_39, %sub3A : i32
          %mul3A_102 = arith.constant 256 : i32
          %mul3A_103 = arith.muli %sub3A_101, %mul3A_102 : i32
          %add3A_104 = arith.addi %mul3A_103, %add3A_10 : i32
          %dma_wait3A_105 = arith.constant 0 : i32
          %dma_wait3A_106 = tpu.memref_slice %arg4[%add3A_104, %dma_wait3A_105] : memref<6656x4096xf32, #tpu.memory_space<hbm>> -> memref<1x4096xf32, #tpu.memory_space<hbm>>
          %dma_wait3A_107 = tpu.memref_squeeze %dma_wait3A_106 : memref<1x4096xf32, #tpu.memory_space<hbm>> -> memref<4096xf32, #tpu.memory_space<hbm>>
          %dma_wait3A_108 = arith.constant 0 : i32
          %dma_wait3A_109 = tpu.memref_slice %arg4[%add3A_104, %dma_wait3A_108] : memref<6656x4096xf32, #tpu.memory_space<hbm>> -> memref<1x4096xf32, #tpu.memory_space<hbm>>
          %dma_wait3A_110 = tpu.memref_squeeze %dma_wait3A_109 : memref<1x4096xf32, #tpu.memory_space<hbm>> -> memref<4096xf32, #tpu.memory_space<hbm>>
          tpu.wait_dma2 semaphore(%arg13 : memref<!tpu.dma_semaphore, #tpu.memory_space<semaphore_mem>>) src(%arg8 : memref<4096xf32, #tpu.memory_space<vmem>>) dst(%dma_wait3A_110 : memref<4096xf32, #tpu.memory_space<hbm>>)
        } else {
        }
        %parallel_loop3A = arith.constant 0 : i32
        %parallel_loop3A_56 = arith.constant 256 : i32
        %parallel_loop3A_57 = arith.constant 1 : i32
        scf.for %parallel_loop3A_101 = %parallel_loop3A to %parallel_loop3A_56 step %parallel_loop3A_57  : i32 {
          %parallel_loop3A_102 = arith.constant 16 : i32
          %parallel_loop3A_103 = arith.muli %parallel_loop3A_101, %parallel_loop3A_102 : i32
          %parallel_loop3A_104 = arith.index_cast %parallel_loop3A_103 : i32 to index
          %parallel_loop3A_105 = tpu.vector_load %arg6[%parallel_loop3A_104] {strides = array<i32>} : memref<4096xi32, #tpu.memory_space<vmem>>, vector<16xi32>,
          %parallel_loop3A_106 = arith.constant 65535 : i32
          %parallel_loop3A_107 = vector.broadcast %parallel_loop3A_106 : i32 to vector<16xi32>
          %parallel_loop3A_108 = arith.andi %parallel_loop3A_105, %parallel_loop3A_107 : vector<16xi32>
          %parallel_loop3A_109 = arith.constant 0 : i32
          %parallel_loop3A_110 = tpu.memref_slice %arg10[%parallel_loop3A_109] : memref<100000xf32, #tpu.memory_space<vmem>> -> memref<65536xf32, #tpu.memory_space<vmem>>
          %parallel_loop3A_111 = tpu.vector_load_idx %parallel_loop3A_110[%parallel_loop3A_108] : memref<65536xf32, #tpu.memory_space<vmem>>[vector<16xi32>], vector<16xf32>,
          %parallel_loop3A_112 = arith.constant 34463 : i32
          %parallel_loop3A_113 = vector.broadcast %parallel_loop3A_112 : i32 to vector<16xi32>
          %parallel_loop3A_114 = arith.minsi %parallel_loop3A_108, %parallel_loop3A_113 : vector<16xi32>
          %parallel_loop3A_115 = arith.constant 65536 : i32
          %parallel_loop3A_116 = tpu.memref_slice %arg10[%parallel_loop3A_115] : memref<100000xf32, #tpu.memory_space<vmem>> -> memref<34464xf32, #tpu.memory_space<vmem>>
          %parallel_loop3A_117 = tpu.vector_load_idx %parallel_loop3A_116[%parallel_loop3A_114] : memref<34464xf32, #tpu.memory_space<vmem>>[vector<16xi32>], vector<16xf32>,
          %parallel_loop3A_118 = arith.constant 65536 : i32
          %parallel_loop3A_119 = vector.broadcast %parallel_loop3A_118 : i32 to vector<16xi32>
          %parallel_loop3A_120 = arith.cmpi slt, %parallel_loop3A_105, %parallel_loop3A_119 : vector<16xi32>
          %parallel_loop3A_121 = arith.select %parallel_loop3A_120, %parallel_loop3A_111, %parallel_loop3A_117 : vector<16xi1>, vector<16xf32>
          %parallel_loop3A_122 = arith.constant 16 : i32
          %parallel_loop3A_123 = arith.muli %parallel_loop3A_101, %parallel_loop3A_122 : i32
          %parallel_loop3A_124 = arith.index_cast %parallel_loop3A_123 : i32 to index
          %parallel_loop3A_125 = tpu.vector_load %arg8[%parallel_loop3A_124] {strides = array<i32>} : memref<4096xf32, #tpu.memory_space<vmem>>, vector<16xf32>,
          tpu.vector_store %arg8[%parallel_loop3A_124], %parallel_loop3A_121 {strides = array<i32>} : memref<4096xf32, #tpu.memory_space<vmem>>, vector<16xf32>,
        } {sc.loop_unroll_factor = 8 : i64, sc.parallel_access}
        %mul3A_58 = arith.constant 256 : i32
        %mul3A_59 = arith.muli %mul3A_39, %mul3A_58 : i32
        %add3A_60 = arith.addi %mul3A_59, %add3A_10 : i32
        %dma_start3A_61 = arith.constant 0 : i32
        %dma_start3A_62 = tpu.memref_slice %arg4[%add3A_60, %dma_start3A_61] : memref<6656x4096xf32, #tpu.memory_space<hbm>> -> memref<1x4096xf32, #tpu.memory_space<hbm>>
        %dma_start3A_63 = tpu.memref_squeeze %dma_start3A_62 : memref<1x4096xf32, #tpu.memory_space<hbm>> -> memref<4096xf32, #tpu.memory_space<hbm>>
        %dma_start3A_64 = arith.constant 0 : i32
        %dma_start3A_65 = tpu.memref_slice %arg4[%add3A_60, %dma_start3A_64] : memref<6656x4096xf32, #tpu.memory_space<hbm>> -> memref<1x4096xf32, #tpu.memory_space<hbm>>
        %dma_start3A_66 = tpu.memref_squeeze %dma_start3A_65 : memref<1x4096xf32, #tpu.memory_space<hbm>> -> memref<4096xf32, #tpu.memory_space<hbm>>
        tpu.enqueue_dma source(%arg8 : memref<4096xf32, #tpu.memory_space<vmem>>) target(%dma_start3A_66 : memref<4096xf32, #tpu.memory_space<hbm>>) target_semaphore(%arg13 : memref<!tpu.dma_semaphore, #tpu.memory_space<semaphore_mem>>)
        %mul3A_67 = arith.constant 2 : i32
        %mul3A_68 = arith.muli %mul3A_67, %scan3A_37 : i32
        %add3A_69 = arith.constant 1 : i32
        %add3A_70 = arith.addi %mul3A_68, %add3A_69 : i32
        %dma_wait3A_71 = arith.constant 0 : i32
        %dma_wait3A_72 = tpu.memref_slice %arg5[%add3A_70, %dma_wait3A_71] : memref<32x4096xi32, #tpu.memory_space<vmem_shared>> -> memref<1x4096xi32, #tpu.memory_space<vmem_shared>>
        %dma_wait3A_73 = tpu.memref_squeeze %dma_wait3A_72 : memref<1x4096xi32, #tpu.memory_space<vmem_shared>> -> memref<4096xi32, #tpu.memory_space<vmem_shared>>
        %dma_wait3A_74 = arith.constant 0 : i32
        %dma_wait3A_75 = tpu.memref_slice %arg5[%add3A_70, %dma_wait3A_74] : memref<32x4096xi32, #tpu.memory_space<vmem_shared>> -> memref<1x4096xi32, #tpu.memory_space<vmem_shared>>
        %dma_wait3A_76 = tpu.memref_squeeze %dma_wait3A_75 : memref<1x4096xi32, #tpu.memory_space<vmem_shared>> -> memref<4096xi32, #tpu.memory_space<vmem_shared>>
        tpu.wait_dma2 semaphore(%arg12 : memref<!tpu.dma_semaphore, #tpu.memory_space<semaphore_mem>>) src(%dma_wait3A_76 : memref<4096xi32, #tpu.memory_space<vmem_shared>>) dst(%arg7 : memref<4096xi32, #tpu.memory_space<vmem>>)
        %add3A_77 = arith.constant 1 : i32
        %add3A_78 = arith.addi %add3A_70, %add3A_77 : i32
        %lt3A_79 = arith.constant 26 : i32
        %lt3A_80 = arith.cmpi slt, %add3A_78, %lt3A_79 : i32
        %convert_element_type3A_81 = arith.extui %lt3A_80 : i1 to i32
        %cond3A_82 = arith.constant 0 : i32
        %cond3A_83 = arith.cmpi ne, %convert_element_type3A_81, %cond3A_82 : i32
        scf.if %cond3A_83 {
          %add3A_101 = arith.constant 1 : i32
          %add3A_102 = arith.addi %add3A_70, %add3A_101 : i32
          %dma_start3A_103 = arith.constant 0 : i32
          %dma_start3A_104 = tpu.memref_slice %arg5[%add3A_102, %dma_start3A_103] : memref<32x4096xi32, #tpu.memory_space<vmem_shared>> -> memref<1x4096xi32, #tpu.memory_space<vmem_shared>>
          %dma_start3A_105 = tpu.memref_squeeze %dma_start3A_104 : memref<1x4096xi32, #tpu.memory_space<vmem_shared>> -> memref<4096xi32, #tpu.memory_space<vmem_shared>>
          %dma_start3A_106 = arith.constant 0 : i32
          %dma_start3A_107 = tpu.memref_slice %arg5[%add3A_102, %dma_start3A_106] : memref<32x4096xi32, #tpu.memory_space<vmem_shared>> -> memref<1x4096xi32, #tpu.memory_space<vmem_shared>>
          %dma_start3A_108 = tpu.memref_squeeze %dma_start3A_107 : memref<1x4096xi32, #tpu.memory_space<vmem_shared>> -> memref<4096xi32, #tpu.memory_space<vmem_shared>>
          tpu.enqueue_dma source(%dma_start3A_108 : memref<4096xi32, #tpu.memory_space<vmem_shared>>) target(%arg6 : memref<4096xi32, #tpu.memory_space<vmem>>) target_semaphore(%arg11 : memref<!tpu.dma_semaphore, #tpu.memory_space<semaphore_mem>>)
        } else {
        }
        %ge3A_84 = arith.constant 2 : i32
        %ge3A_85 = arith.cmpi sge, %add3A_70, %ge3A_84 : i32
        %convert_element_type3A_86 = arith.extui %ge3A_85 : i1 to i32
        %cond3A_87 = arith.constant 0 : i32
        %cond3A_88 = arith.cmpi ne, %convert_element_type3A_86, %cond3A_87 : i32
        scf.if %cond3A_88 {
          %sub3A = arith.constant 2 : i32
          %sub3A_101 = arith.subi %add3A_70, %sub3A : i32
          %mul3A_102 = arith.constant 256 : i32
          %mul3A_103 = arith.muli %sub3A_101, %mul3A_102 : i32
          %add3A_104 = arith.addi %mul3A_103, %add3A_10 : i32
          %dma_wait3A_105 = arith.constant 0 : i32
          %dma_wait3A_106 = tpu.memref_slice %arg4[%add3A_104, %dma_wait3A_105] : memref<6656x4096xf32, #tpu.memory_space<hbm>> -> memref<1x4096xf32, #tpu.memory_space<hbm>>
          %dma_wait3A_107 = tpu.memref_squeeze %dma_wait3A_106 : memref<1x4096xf32, #tpu.memory_space<hbm>> -> memref<4096xf32, #tpu.memory_space<hbm>>
          %dma_wait3A_108 = arith.constant 0 : i32
          %dma_wait3A_109 = tpu.memref_slice %arg4[%add3A_104, %dma_wait3A_108] : memref<6656x4096xf32, #tpu.memory_space<hbm>> -> memref<1x4096xf32, #tpu.memory_space<hbm>>
          %dma_wait3A_110 = tpu.memref_squeeze %dma_wait3A_109 : memref<1x4096xf32, #tpu.memory_space<hbm>> -> memref<4096xf32, #tpu.memory_space<hbm>>
          tpu.wait_dma2 semaphore(%arg14 : memref<!tpu.dma_semaphore, #tpu.memory_space<semaphore_mem>>) src(%arg9 : memref<4096xf32, #tpu.memory_space<vmem>>) dst(%dma_wait3A_110 : memref<4096xf32, #tpu.memory_space<hbm>>)
        } else {
        }
        %parallel_loop3A_89 = arith.constant 0 : i32
        %parallel_loop3A_90 = arith.constant 256 : i32
        %parallel_loop3A_91 = arith.constant 1 : i32
        scf.for %parallel_loop3A_101 = %parallel_loop3A_89 to %parallel_loop3A_90 step %parallel_loop3A_91  : i32 {
          %parallel_loop3A_102 = arith.constant 16 : i32
          %parallel_loop3A_103 = arith.muli %parallel_loop3A_101, %parallel_loop3A_102 : i32
          %parallel_loop3A_104 = arith.index_cast %parallel_loop3A_103 : i32 to index
          %parallel_loop3A_105 = tpu.vector_load %arg7[%parallel_loop3A_104] {strides = array<i32>} : memref<4096xi32, #tpu.memory_space<vmem>>, vector<16xi32>,
          %parallel_loop3A_106 = arith.constant 65535 : i32
          %parallel_loop3A_107 = vector.broadcast %parallel_loop3A_106 : i32 to vector<16xi32>
          %parallel_loop3A_108 = arith.andi %parallel_loop3A_105, %parallel_loop3A_107 : vector<16xi32>
          %parallel_loop3A_109 = arith.constant 0 : i32
          %parallel_loop3A_110 = tpu.memref_slice %arg10[%parallel_loop3A_109] : memref<100000xf32, #tpu.memory_space<vmem>> -> memref<65536xf32, #tpu.memory_space<vmem>>
          %parallel_loop3A_111 = tpu.vector_load_idx %parallel_loop3A_110[%parallel_loop3A_108] : memref<65536xf32, #tpu.memory_space<vmem>>[vector<16xi32>], vector<16xf32>,
          %parallel_loop3A_112 = arith.constant 34463 : i32
          %parallel_loop3A_113 = vector.broadcast %parallel_loop3A_112 : i32 to vector<16xi32>
          %parallel_loop3A_114 = arith.minsi %parallel_loop3A_108, %parallel_loop3A_113 : vector<16xi32>
          %parallel_loop3A_115 = arith.constant 65536 : i32
          %parallel_loop3A_116 = tpu.memref_slice %arg10[%parallel_loop3A_115] : memref<100000xf32, #tpu.memory_space<vmem>> -> memref<34464xf32, #tpu.memory_space<vmem>>
          %parallel_loop3A_117 = tpu.vector_load_idx %parallel_loop3A_116[%parallel_loop3A_114] : memref<34464xf32, #tpu.memory_space<vmem>>[vector<16xi32>], vector<16xf32>,
          %parallel_loop3A_118 = arith.constant 65536 : i32
          %parallel_loop3A_119 = vector.broadcast %parallel_loop3A_118 : i32 to vector<16xi32>
          %parallel_loop3A_120 = arith.cmpi slt, %parallel_loop3A_105, %parallel_loop3A_119 : vector<16xi32>
          %parallel_loop3A_121 = arith.select %parallel_loop3A_120, %parallel_loop3A_111, %parallel_loop3A_117 : vector<16xi1>, vector<16xf32>
          %parallel_loop3A_122 = arith.constant 16 : i32
          %parallel_loop3A_123 = arith.muli %parallel_loop3A_101, %parallel_loop3A_122 : i32
          %parallel_loop3A_124 = arith.index_cast %parallel_loop3A_123 : i32 to index
          %parallel_loop3A_125 = tpu.vector_load %arg9[%parallel_loop3A_124] {strides = array<i32>} : memref<4096xf32, #tpu.memory_space<vmem>>, vector<16xf32>,
          tpu.vector_store %arg9[%parallel_loop3A_124], %parallel_loop3A_121 {strides = array<i32>} : memref<4096xf32, #tpu.memory_space<vmem>>, vector<16xf32>,
        } {sc.loop_unroll_factor = 8 : i64, sc.parallel_access}
        %mul3A_92 = arith.constant 256 : i32
        %mul3A_93 = arith.muli %add3A_70, %mul3A_92 : i32
        %add3A_94 = arith.addi %mul3A_93, %add3A_10 : i32
        %dma_start3A_95 = arith.constant 0 : i32
        %dma_start3A_96 = tpu.memref_slice %arg4[%add3A_94, %dma_start3A_95] : memref<6656x4096xf32, #tpu.memory_space<hbm>> -> memref<1x4096xf32, #tpu.memory_space<hbm>>
        %dma_start3A_97 = tpu.memref_squeeze %dma_start3A_96 : memref<1x4096xf32, #tpu.memory_space<hbm>> -> memref<4096xf32, #tpu.memory_space<hbm>>
        %dma_start3A_98 = arith.constant 0 : i32
        %dma_start3A_99 = tpu.memref_slice %arg4[%add3A_94, %dma_start3A_98] : memref<6656x4096xf32, #tpu.memory_space<hbm>> -> memref<1x4096xf32, #tpu.memory_space<hbm>>
        %dma_start3A_100 = tpu.memref_squeeze %dma_start3A_99 : memref<1x4096xf32, #tpu.memory_space<hbm>> -> memref<4096xf32, #tpu.memory_space<hbm>>
        tpu.enqueue_dma source(%arg9 : memref<4096xf32, #tpu.memory_space<vmem>>) target(%dma_start3A_100 : memref<4096xf32, #tpu.memory_space<hbm>>) target_semaphore(%arg14 : memref<!tpu.dma_semaphore, #tpu.memory_space<semaphore_mem>>)
      }
      %scan3A_21 = arith.constant 13 : i32
      %add3A_22 = arith.constant 6144 : i32
      %add3A_23 = arith.addi %add3A_22, %add3A_10 : i32
      %dma_wait3A = arith.constant 0 : i32
      %dma_wait3A_24 = tpu.memref_slice %arg4[%add3A_23, %dma_wait3A] : memref<6656x4096xf32, #tpu.memory_space<hbm>> -> memref<1x4096xf32, #tpu.memory_space<hbm>>
      %dma_wait3A_25 = tpu.memref_squeeze %dma_wait3A_24 : memref<1x4096xf32, #tpu.memory_space<hbm>> -> memref<4096xf32, #tpu.memory_space<hbm>>
      %dma_wait3A_26 = arith.constant 0 : i32
      %dma_wait3A_27 = tpu.memref_slice %arg4[%add3A_23, %dma_wait3A_26] : memref<6656x4096xf32, #tpu.memory_space<hbm>> -> memref<1x4096xf32, #tpu.memory_space<hbm>>
      %dma_wait3A_28 = tpu.memref_squeeze %dma_wait3A_27 : memref<1x4096xf32, #tpu.memory_space<hbm>> -> memref<4096xf32, #tpu.memory_space<hbm>>
      tpu.wait_dma2 semaphore(%arg13 : memref<!tpu.dma_semaphore, #tpu.memory_space<semaphore_mem>>) src(%arg8 : memref<4096xf32, #tpu.memory_space<vmem>>) dst(%dma_wait3A_28 : memref<4096xf32, #tpu.memory_space<hbm>>)
      %add3A_29 = arith.constant 6400 : i32
      %add3A_30 = arith.addi %add3A_29, %add3A_10 : i32
      %dma_wait3A_31 = arith.constant 0 : i32
      %dma_wait3A_32 = tpu.memref_slice %arg4[%add3A_30, %dma_wait3A_31] : memref<6656x4096xf32, #tpu.memory_space<hbm>> -> memref<1x4096xf32, #tpu.memory_space<hbm>>
      %dma_wait3A_33 = tpu.memref_squeeze %dma_wait3A_32 : memref<1x4096xf32, #tpu.memory_space<hbm>> -> memref<4096xf32, #tpu.memory_space<hbm>>
      %dma_wait3A_34 = arith.constant 0 : i32
      %dma_wait3A_35 = tpu.memref_slice %arg4[%add3A_30, %dma_wait3A_34] : memref<6656x4096xf32, #tpu.memory_space<hbm>> -> memref<1x4096xf32, #tpu.memory_space<hbm>>
      %dma_wait3A_36 = tpu.memref_squeeze %dma_wait3A_35 : memref<1x4096xf32, #tpu.memory_space<hbm>> -> memref<4096xf32, #tpu.memory_space<hbm>>
      tpu.wait_dma2 semaphore(%arg14 : memref<!tpu.dma_semaphore, #tpu.memory_space<semaphore_mem>>) src(%arg9 : memref<4096xf32, #tpu.memory_space<vmem>>) dst(%dma_wait3A_36 : memref<4096xf32, #tpu.memory_space<hbm>>)
    }
    %scan3A_6 = arith.constant 8 : i32
    return
  }
}

</mosaic_0001>

<sc_bundles>
// kernel: kernel.3.cloned.1.call-start
scs
__scs_entry_jumppad:
0x0: {  	(pc) =	sbr.rel $0x88, $3  }
0x1: {  	(tag) =	ssettag $0x0;
	lr =	simm.s32 $0x1  }
0x2: {  	[smem:$0x3F9F] =	sst lr;
	_ =	strace $0xD0000000  }
0x3: {  	_ = 	snop  }
0x4: {  	_ = 	snop  }
0x5: {  	_ = 	snop  }
0x6: {  	_ = 	snop  }
0x7: {  	_ = 	snop  }
__scs_overlays_trampoline_lowered:
0x8: {  	[smem:$0x3FAE] =	sst s0  }
0x9: {  	[smem:$0x3FAF] =	sst s1  }
0xa: {  	[smem:$0x3FB0] =	sst s2  }
0xb: {  	[smem:$0x3FB1] =	sst s3  }
0xc: {  	[smem:$0x3FB2] =	sst s4  }
0xd: {  	[smem:$0x3FB3] =	sst s5  }
0xe: {  	[smem:$0x3FB4] =	sst s6  }
0xf: {  	[smem:$0x3FB5] =	sst s7  }
0x10: {  	[smem:$0x3FB6] =	sst s8  }
0x11: {  	[smem:$0x3FB7] =	sst s9;
	s0 =	simm.s32 @!p0 $0x0  }
0x12: {  	s1 =	sld [smem:$0x3F9D];
	s0 =	simm.s32 @p0 $0x1  }
0x13: {  	[smem:$0x3FB8] =	sst s0;
	s0 =	simm.s32 @!p1 $0x0  }
0x14: {  	s2 =	sld [smem:$0x3F9C];
	s0 =	simm.s32 @p1 $0x1  }
0x15: {  	[smem:$0x3FB9] =	sst s0;
	s0 =	simm.s32 @!p2 $0x0  }
0x16: {  	s3 =	sld [smem:$0x3FDB];
	s0 =	simm.s32 @p2 $0x1  }
0x17: {  	s4 =	simm.s32 $0x1BF5;
	[smem:$0x3FBB] =	sst s0  }
0x18: {  	s0 =	sld [smem:$0x3F9E];
	_ =	swait.ge [sflag:s4], $0x0  }
0x19: {  	s7 =	sld [smem:$0x3F9F]  }
0x1a: {  	s8 =	sadd.s32 $0xFFFFE003, lr  }
0x1b: {  	s9 =	sadd.s32 $0xFFFFFEF7, lr;
	s5 =	simm.s32 $0xFFFFFFFF;
	p2 =	slt.u32 s8, $0xFFFFF086  }
0x1c: {  	p1 =	slt.u32 s9, $0xF7A;
	s5 =	simm.s32 @!p2 $0x0  }
0x1d: {  	s5 =	simm.s32 @p1 $0x1;
	p0 =	seq.s32 s7, s2  }
0x1e: {  	s7 =	smul.u32 @!p0 $0xF7A, s2;
	p2 =	seq.s32 @!p0 s5, $0x0  }
0x1f: {  	s9 =	smul.u32 $0xF7A, s1;
	s8 =	simm.s32 @!p0 $0x1BF5;
	p2 =	por !p2, p0  }
0x20: {  	[sflag:s8] =	ssyncset.s32 @!p0 $0xFFFFF086;
	s6 =	sadd.s32 @!p0 s3, s7;
	s7 =	simm.s32 @!p0 $0x108  }
0x21: {  	s3 =	sadd.s32 s3, s9;
	s6 =	sadd.s32 @!p0 $0x88, s6;
	s7 =	simm.s32 @p2 $0x1082  }
0x22: {  	[simem:s7], [sflag:s8] =	dma.local @!p0 [hbm:s6], $0xF7A  }
0x23: {  	s9 =	sor.u32 $0xD0000000, s2;
	s6 =	simm.s32 $0x108;
	_ =	swait.ge @!p0 [sflag:s8], $0x0  }
0x24: {  	s3 =	sadd.s32 $0x88, s3;
	s6 =	simm.s32 @!p1 $0x1082;
	[sflag:s4] =	ssyncset.s32 $0xFFFFF086  }
0x25: {  	[simem:s6], [sflag:s4] =	dma.local [hbm:s3], $0xF7A  }
0x26: {  	[smem:$0x3F9F] =	sst s1;
	(tag) =	ssettag s2;
	_ =	strace s9  }
0x27: {  	s1 =	sld [smem:$0x3FAF]  }
0x28: {  	s2 =	sld [smem:$0x3FB0]  }
0x29: {  	s4 =	sld [smem:$0x3FB2]  }
0x2a: {  	p0 =	seq.s32 s5, $0x0;
	s5 =	sld [smem:$0x3FB3]  }
0x2b: {  	s6 =	sld [smem:$0x3FB4]  }
0x2c: {  	s7 =	sld [smem:$0x3FB5]  }
0x2d: {  	s3 =	simm.s32 $0x108;
	s8 =	sld [smem:$0x3FB6]  }
0x2e: {  	s3 =	simm.s32 @!p0 $0x1082;
	s9 =	sld [smem:$0x3FB7]  }
0x2f: {  	lr =	sadd.s32 s0, s3;
	s0 =	sld [smem:$0x3FAE]  }
0x30: {  	s3 =	sld [smem:$0x3FB1]  }
0x31: {  	[smem:$0x3FBA] =	sst s10  }
0x32: {  	s10 =	sld [smem:$0x3FB8];
	_ =	sdelay $0x3  }
0x33: {  	p0 =	seq.s32 s10, $0x1;
	s10 =	sld [smem:$0x3FBA];
	_ =	sdelay $0x3  }
0x34: {  	[smem:$0x3FBA] =	sst s10  }
0x35: {  	s10 =	sld [smem:$0x3FB9];
	_ =	sdelay $0x3  }
0x36: {  	p1 =	seq.s32 s10, $0x1;
	s10 =	sld [smem:$0x3FBA];
	_ =	sdelay $0x3  }
0x37: {  	[smem:$0x3FBA] =	sst s10  }
0x38: {  	s10 =	sld [smem:$0x3FBB]  }
0x39: {  	_ = 	snop;
	(pc) =	sbr.ind lr, $3  }
0x3a: {  	_ = 	snop  }
0x3b: {  	_ = 	snop  }
0x3c: {  	p2 =	seq.s32 s10, $0x1;
	s10 =	sld [smem:$0x3FBA]  }
0x3d: {  	_ =	shalt  }
0x3e: {  	_ =	shalt  }
0x3f: {  	_ =	shalt  }
0x40: {  	_ =	shalt  }
0x41: {  	_ =	shalt  }
0x42: {  	_ =	shalt  }
0x43: {  	_ =	shalt  }
0x44: {  	_ =	shalt  }
0x45: {  	_ =	shalt  }
0x46: {  	_ =	shalt  }
0x47: {  	_ =	shalt  }
0x48: {  	_ =	shalt  }
0x49: {  	_ =	shalt  }
0x4a: {  	_ =	shalt  }
0x4b: {  	_ =	shalt  }
0x4c: {  	_ =	shalt  }
0x4d: {  	_ =	shalt  }
0x4e: {  	_ =	shalt  }
0x4f: {  	_ =	shalt  }
0x50: {  	_ =	shalt  }
0x51: {  	_ =	shalt  }
0x52: {  	_ =	shalt  }
0x53: {  	_ =	shalt  }
0x54: {  	_ =	shalt  }
0x55: {  	_ =	shalt  }
0x56: {  	_ =	shalt  }
0x57: {  	_ =	shalt  }
0x58: {  	_ =	shalt  }
0x59: {  	_ =	shalt  }
0x5a: {  	_ =	shalt  }
0x5b: {  	_ =	shalt  }
0x5c: {  	_ =	shalt  }
0x5d: {  	_ =	shalt  }
0x5e: {  	_ =	shalt  }
0x5f: {  	_ =	shalt  }
0x60: {  	_ =	shalt  }
0x61: {  	_ =	shalt  }
0x62: {  	_ =	shalt  }
0x63: {  	_ =	shalt  }
0x64: {  	_ =	shalt  }
0x65: {  	_ =	shalt  }
0x66: {  	_ =	shalt  }
0x67: {  	_ =	shalt  }
0x68: {  	_ =	shalt  }
0x69: {  	_ =	shalt  }
0x6a: {  	_ =	shalt  }
0x6b: {  	_ =	shalt  }
0x6c: {  	_ =	shalt  }
0x6d: {  	_ =	shalt  }
0x6e: {  	_ =	shalt  }
0x6f: {  	_ =	shalt  }
0x70: {  	_ =	shalt  }
0x71: {  	_ =	shalt  }
0x72: {  	_ =	shalt  }
0x73: {  	_ =	shalt  }
0x74: {  	_ =	shalt  }
0x75: {  	_ =	shalt  }
0x76: {  	_ =	shalt  }
0x77: {  	_ =	shalt  }
0x78: {  	_ =	shalt  }
0x79: {  	_ =	shalt  }
0x7a: {  	_ =	shalt  }
0x7b: {  	_ =	shalt  }
0x7c: {  	_ =	shalt  }
0x7d: {  	_ =	shalt  }
0x7e: {  	_ =	shalt  }
0x7f: {  	_ =	shalt  }
0x80: {  	_ =	shalt  }
0x81: {  	_ =	shalt  }
0x82: {  	_ =	shalt  }
0x83: {  	_ =	shalt  }
0x84: {  	_ =	shalt  }
0x85: {  	_ =	shalt  }
0x86: {  	_ =	shalt  }
0x87: {  	_ =	shalt  }
.Lfunc_end0:
.L_simem_size_0:
called_computation_lowered:
.L_overlay_start_0:
0x88: {  	s2 =	sld [smem:$0x3FD9]  }
0x89: {  	s3 =	sld [smem:$0x3FFE];
	_ =	sdelay $0x1  }
0x8a: {  	s1 =	srdreg.scid  }
0x8b: {  	s0 =	sand.u32 $0x1, s1  }
0x8c: {  	s17 =	sshll.u32 s0, $0xA;
	s2 =	sadd.s32 s3, s2  }
0x8d: {  	s2 =	sadd.s32 s2, s17  }
0x8e: {  	[smem:$0x3FC6] =	sst s2  }
0x8f: {  	_ = 	snop  }
0x90: {  	s2 =	sld [smem:$0x3FC8]  }
0x91: {  	s18 =	sld [smem:$0x3FD0];
	(tm) =	ssettm $0x1  }
0x92: {  	s4 =	sld [smem:$0x3FFB];
	_ =	sdelay $0x3  }
0x93: {  	_ =	strace s4  }
0x94: {  	s4 =	sld [smem:$0x3FFC];
	_ =	sdelay $0x3  }
0x95: {  	_ =	strace s4  }
0x96: {  	s4 =	sld [smem:$0x3FFD];
	_ =	sdelay $0x3  }
0x97: {  	_ =	strace s4  }
0x98: {  	_ =	strace $0x8FFFFFFF  }
0x99: {  	s19 =	sld [smem:$0x3FDB];
	_ =	sdelay $0x1  }
0x9a: {  	s5 =	simm.s32 $_scs_section_size  }
0x9b: {  	s6 =	simm.s32 $_size__tile_overlayer_lowered;
	s7 =	simm.s32 $_tile_overlayer_lowered  }
0x9c: {  	s22 =	simm.s32 $0x1BFF;
	s21 =	sshll.u32 s7, $0x1;
	s4 =	sadd.s32 s5, s19  }
0x9d: {  	s8 =	simm.s32 $0x0;
	s20 =	sshll.u32 s6, $0x1;
	s6 =	sadd.s32 s21, s4  }
0x9e: {  	[timem:s8], [sflag:s22] =	dma.local [hbm:s6], s20  }
0x9f: {  	_ =	swait.ge [sflag:s22], s20  }
0xa0: {  	s5 =	ssub.s32 $0x0, s20;
	[sflag:s22] =	ssyncset.done $0x0  }
0xa1: {  	[sflag:s22] =	ssyncadd.s32 s5;
	_ =	sdelay $0x1  }
0xa2: {  	s23 =	simm.s32 $0x1B8B  }
0xa3: {  	_ =	swait.ge [sflag:s23], $0x1  }
0xa4: {  	[sflag:s23] =	ssyncset.done $0x0  }
0xa5: {  	s25 =	simm.s32 $0x1B8E;
	s24 =	sld [smem:$0x3FFE];
	[sflag:s23] =	ssyncadd.s32 $0xFFFFFFFF  }
0xa6: {  	s26 =	simm.s32 $execute0_lowered;
	[smem:$0x3FD2] =	sst s25  }
0xa7: {  	s6 =	sshll.u32 s26, $0x1;
	_ =	strace $0x80000046;
	[dreg:$0x1] =	wrdreg $0xFFFFFFFF  }
0xa8: {  	s28 =	simm.s32 $_size_execute0_lowered;
	s4 =	sadd.s32 s4, s6;
	[dreg:$0x0] =	wrdreg $0x0  }
0xa9: {  	s6 =	sshll.u32 s28, $0x1;
	[dreg:$0x2] =	wrdreg s4  }
0xaa: {  	[dreg:$0x3] =	wrdreg s6  }
0xab: {  	[dreg:$0x4] =	wrdreg $0xC0  }
0xac: {  	_ =	task [dreg:s8], $0x5FFFF  }
0xad: {  	[dreg:$0x1] =	wrdreg $0xFFFFFFFF  }
0xae: {  	[dreg:$0x0] =	wrdreg $0x60  }
0xaf: {  	[dreg:$0x2] =	wrdreg s2  }
0xb0: {  	[dreg:$0x3] =	wrdreg s24  }
0xb1: {  	[dreg:$0x4] =	wrdreg s18  }
0xb2: {  	[dreg:$0x5] =	wrdreg $0x0  }
0xb3: {  	[dreg:$0x6] =	wrdreg $0x9  }
0xb4: {  	_ =	task.clear_ibuf [dreg:s8], $0x7FFFF;
	_ =	strace $0x90000046  }
0xb5: {  	s29 =	simm.s32 $0x9;
	_ =	strace $0x80000048  }
0xb6: {  	_ =	swait.ge [sflag:s29], $0x1  }
0xb7: {  	[sflag:s29] =	ssyncadd.s32 $0xFFFFFFFF  }
0xb8: {  	_ =	strace $0x90000048  }
0xb9: {  	_ =	sfence  }
0xba: {  	s30 =	sld [smem:$0x0];
	_ =	sdelay $0x2  }
0xbb: {  	s31 =	sshll.u32 s1, $0xD;
	s1 =	sshrl.u32 s1, $0x2  }
0xbc: {  	s3 =	sand.u32 $0x4000, s31;
	s1 =	sadd.s32 s1, s30  }
0xbd: {  	s0 =	sor.u32 s3, s0;
	s1 =	sshll.u32 s1, $0x11  }
0xbe: {  	s0 =	sor.u32 s1, s0  }
0xbf: {  	s0 =	sadd.s32 $0x8F2B, s0  }
0xc0: {  	[sflag:s0] =	ssyncadd.remote.s32 $0x1  }
0xc1: {  	_ =	sfence.sel $0xFFFF  }
0xc2: {  	[dreg:$0x0] =	wrdreg $0xFFFFFFFF;
	(pc) =	sbr.abs _section_cstart, $3  }
0xc3: {  	[dreg:$0x1] =	wrdreg $0xFFFFFFFF  }
0xc4: {  	_ =	task.clear_ibuf [dreg:s8], $0x2FFFF;
	_ =	strace $0x9FFFFFFF  }
0xc5: {  	(tm) =	ssettm $0x7FFFFFFF  }
tec
execute0_lowered:
.L_overlay_start_1:
0x0: {  	(tag) =	ssettag $0x1  }
0x1: {  	s1 =	rddreg [dreg:$0x0]  }
0x2: {  	s4 =	rddreg [dreg:$0x1]  }
0x3: {  	s6 =	rddreg [dreg:$0x2]  }
0x4: {  	s2 =	rddreg [dreg:$0x3]  }
0x5: {  	s0 =	rddreg [dreg:$0x4]  }
0x6: {  	s3 =	simm.s32 $0x0;
	s5 =	srdreg.scid;
	s7 =	stileid.u32  }
0x7: {  	s11 =	simm.s32 $0x6000;
	s12 =	simm.s32 $0x5;
	s13 =	simm.s32 $0x2000  }
0x8: {  	s14 =	simm.s32 $0x1;
	s15 =	simm.s32 $0x3000;
	s16 =	simm.s32 $0x16000  }
0x9: {  	s17 =	simm.s32 $0x4000;
	s18 =	simm.s32 $0x2;
	s19 =	simm.s32 $0x5000  }
0xa: {  	s20 =	simm.s32 $0x3;
	s21 =	simm.s32 $0x4;
	[smem:$0x7FF] =	sst s3  }
0xb: {  	s5 =	sand.u32 $0x1, s5;
	s9 =	sshll.u32 s7, $0x3;
	s4 =	sadd.s32 $0x400, s4  }
0xc: {  	p0 =	sne.s32 s7, $0x0;
	s8 =	ssub.s32 $0x2, s5;
	s5 =	sshll.u32 s5, $0x7  }
0xd: {  	_ =	strace $0x80000047;
	s10 =	sshrl.u32 s8, $0x1;
	s5 =	sor.u32 s9, s5  }
0xe: {  	s8 =	ssub.s32 s8, s10;
	s9 =	sshrl.u32 s5, $0x3;
	s31 =	sshll.u32 s5, $0x9  }
0xf: {  	s10 =	simm.s32 $0x400;
	s5 =	smul.u32 $0xC3800, s9;
	s6 =	sadd.s32 s6, s31  }
0x10: {  	s7 =	smax.u32 s8, $0x1;
	s8 =	sshrl.u32 @!p0 s2, $0x3;
	s9 =	simm.s32 $0x80  }
.LBB2_1:
0x11: {  	s22 =	simm.s32 @!p0 $0x1C05  }
0x12: {  	[spmem:s8], [sflag:s22] =	dma.local @!p0 [hbm:s4], $0x4000  }
0x13: {  	s22 =	simm.s32 @!p0 $0x5  }
0x14: {  	_ =	swait.ge @!p0 [sflag:s22], $0x4000  }
0x15: {  	[sflag:s22] =	ssyncset.done @!p0 $0x0  }
0x16: {  	[sflag:s22] =	ssyncadd.s32 @!p0 $0xFFFFC000  }
0x17: {  	s22 =	simm.s32 $0x0;
	[bflag:$0x0] =	sbarrier.arrive $0xFFFF  }
.LBB2_2:
0x18: {  	s23 =	sshll.u32 s22, $0x7  }
0x19: {  	s23 =	sadd.s32 s5, s23  }
0x1a: {  	s23 =	sshrl.u32 s23, $0x3  }
0x1b: {  	s23 =	sadd.s32 s1, s23  }
0x1c: {  	[tilespmem:s11], [sflag:$0x5] =	stream.strided.gather [hbm4b:s23+s9], $0x18700, s10, s9, $0x38;
	[tilespmem:$0x1E700] =	vst v63  }
0x1d: {  	_ =	swait.ge [sflag:s12], $0x18700  }
0x1e: {  	s31 =	sshll.u32 s22, $0x4;
	[sflag:s12] =	ssyncset.done $0x0  }
0x1f: {  	s24 =	simm.s32 $0x0;
	s23 =	sadd.s32 s31, s6;
	[sflag:s12] =	ssyncadd.s32 $0xFFFE7900  }
0x20: {  	[tilespmem:s13], [sflag:$0x1] =	stream.strided.gather [spmem:s2], $0x1000, s10, s9, $0x38;
	[tilespmem:$0x1E700] =	vst v63  }
.LBB2_3:
0x21: {  	s25 =	sshllo.u32 s24, $0x1;
	s26 =	sshll.u32 s24, $0xD  }
0x22: {  	_ =	swait.ge [sflag:s14], $0x1000;
	s26 =	sand.u32 $0x18000, s26;
	s28 =	sshll.u32 s25, $0x7  }
0x23: {  	[sflag:s14] =	ssyncset.done $0x0;
	s28 =	sand.u32 $0x380, s28;
	s26 =	sadd.s32 s26, s2  }
0x24: {  	p1 =	seq.s32 s24, $0x0;
	[sflag:s14] =	ssyncadd.s32 $0xFFFFF000;
	s26 =	sadd.s32 s28, s26  }
0x25: {  	[tilespmem:s15], [sflag:$0x2] =	stream.strided.gather [spmem:s26], $0x1000, s10, s9, $0x38;
	[tilespmem:$0x1E700] =	vst v63  }
0x26: {  	s26 =	simm.s32 @!p1 $0x3  }
0x27: {  	_ =	swait.ge @!p1 [sflag:s26], $0x1000  }
0x28: {  	[sflag:s26] =	ssyncset.done @!p1 $0x0  }
0x29: {  	s31 =	simm.s32 $0x2040;
	[sflag:s26] =	ssyncadd.s32 @!p1 $0xFFFFF000  }
0x2a: {  	v9 =	vld [tilespmem:s31+$0x30]  }
0x2b: {  	v10 =	vld [tilespmem:s31+$0xFFFFFFD0]  }
0x2c: {  	v11 =	vld [tilespmem:s31+$0xFFFFFFE0]  }
0x2d: {  	v13 =	vld [tilespmem:s31+$0xFFFFFFF0];
	_ =	sdelay $0x1  }
0x2e: {  	v0 =	vand.u32 $0xFFFF, v9  }
0x2f: {  	v14 =	vld [tilespmem:s31+$0x0];
	v16 =	vand.u32 $0xFFFF, v10  }
0x30: {  	v15 =	vld [tilespmem:s31+$0x10];
	v19 =	vand.u32 $0xFFFF, v11  }
0x31: {  	v18 =	vld [tilespmem:s31+$0xFFFFFFC0];
	v20 =	vand.u32 $0xFFFF, v13  }
0x32: {  	v17 =	vld [tilespmem:s31+$0x20];
	v3 =	vmin.u32 v0, $0x869F  }
0x33: {  	v4 =	vmin.u32 v16, $0x869F;
	v22 =	vld.idx.msk [tilespmem:v0+s11+$0x0], $0xffff  }
0x34: {  	vm2 =	vlt.s32 v10, $0x10000;
	v5 =	vmin.u32 v19, $0x869F;
	v10 =	vld.idx.msk [tilespmem:v16+s11+$0x0], $0xffff  }
0x35: {  	v21 =	vand.u32 $0xFFFF, v14;
	vm0 =	vlt.s32 v9, $0x10000;
	v8 =	vmin.u32 v20, $0x869F;
	v9 =	vld.idx.msk [tilespmem:v19+s11+$0x0], $0xffff  }
0x36: {  	v24 =	vand.u32 $0xFFFF, v18;
	vm4 =	vlt.s32 v11, $0x10000;
	v12 =	vmin.u32 v21, $0x869F;
	v11 =	vld.idx.msk [tilespmem:v20+s11+$0x0], $0xffff  }
0x37: {  	v26 =	vmin.u32 v24, $0x869F;
	v23 =	vld.idx.msk [tilespmem:v3+s16+$0x0], $0xffff  }
0x38: {  	v1 =	vand.u32 $0xFFFF, v15;
	v6 =	vld.idx.msk [tilespmem:v4+s16+$0x0], $0xffff  }
0x39: {  	v2 =	vand.u32 $0xFFFF, v17;
	v0 =	vmin.u32 v1, $0x869F;
	v7 =	vld.idx.msk [tilespmem:v5+s16+$0x0], $0xffff  }
0x3a: {  	v25 =	vmin.u32 v2, $0x869F;
	v5 =	vld.idx.msk [tilespmem:v8+s16+$0x0], $0xffff  }
0x3b: {  	v4 =	vld.idx.msk [tilespmem:v12+s16+$0x0], $0xffff  }
0x3c: {  	v8 =	vld.idx.msk [tilespmem:v26+s16+$0x0], $0xffff  }
0x3d: {  	v12 =	vld.idx.msk [tilespmem:v24+s11+$0x0], $0xffff  }
0x3e: {  	vm5 =	vlt.s32 v13, $0x10000;
	vm3 =	vlt.s32 v14, $0x10000;
	v3 =	vld.idx.msk [tilespmem:v0+s16+$0x0], $0xffff  }
0x3f: {  	s28 =	simm.s32 $0x4040;
	vm1 =	vlt.s32 v15, $0x10000;
	vm7 =	vlt.s32 v17, $0x10000;
	v0 =	vld.idx.msk [tilespmem:v25+s16+$0x0], $0xffff;
	v13 =	vsel vm0, v22, v23  }
0x40: {  	s29 =	simm.s32 $0x0;
	s30 =	simm.s32 $0x20C0;
	s26 =	sshll.u32 s24, $0x1;
	vm6 =	vlt.s32 v18, $0x10000;
	vm1 =	vmmov vm1;
	vm0 =	vmmov vm7;
	[tilespmem:s28+$0x30] =	vst v13;
	v13 =	vld.idx.msk [tilespmem:v21+s11+$0x0], $0xffff  }
.LBB2_4:
0x41: {  	v14 =	vld [tilespmem:s30+$0x30];
	s29 =	sadd.s32 $0x8, s29  }
0x42: {  	v8 =	vsel vm6, v12, v8;
	v15 =	vld [tilespmem:s30+$0xFFFFFFD0];
	p1 =	slt.u32 s29, $0xF8  }
0x43: {  	v6 =	vsel vm2, v10, v6;
	v12 =	vld [tilespmem:s30+$0xFFFFFFE0];
	[tilespmem:s28+$0xFFFFFFC0] =	vst v8  }
0x44: {  	v8 =	vld [tilespmem:s30+$0xFFFFFFF0];
	[tilespmem:s28+$0xFFFFFFD0] =	vst v6;
	v6 =	vsel vm4, v9, v7  }
0x45: {  	v5 =	vsel vm5, v11, v5;
	v7 =	vld [tilespmem:s30+$0x0];
	[tilespmem:s28+$0xFFFFFFE0] =	vst v6  }
0x46: {  	v4 =	vsel vm3, v13, v4;
	v6 =	vld [tilespmem:s30+$0x10];
	v9 =	vand.u32 $0xFFFF, v14;
	[tilespmem:s28+$0xFFFFFFF0] =	vst v5  }
0x47: {  	v10 =	vand.u32 $0xFFFF, v15;
	vm2 =	vlt.s32 v15, $0x10000;
	v5 =	vld [tilespmem:s30+$0x20];
	v11 =	vmin.u32 v9, $0x869F;
	[tilespmem:s28+$0x0] =	vst v4  }
0x48: {  	v4 =	vld [tilespmem:s30+$0xFFFFFFC0];
	v13 =	vmin.u32 v10, $0x869F;
	v15 =	vand.u32 $0xFFFF, v12;
	vm4 =	vlt.s32 v12, $0x10000  }
0x49: {  	v12 =	vmin.u32 v15, $0x869F;
	v16 =	vand.u32 $0xFFFF, v8;
	vm5 =	vlt.s32 v8, $0x10000;
	v8 =	vld.idx.msk [tilespmem:v1+s11+$0x0], $0xffff  }
0x4a: {  	v17 =	vmin.u32 v16, $0x869F;
	v18 =	vand.u32 $0xFFFF, v7;
	vm3 =	vlt.s32 v7, $0x10000;
	v19 =	vld.idx.msk [tilespmem:v2+s11+$0x0], $0xffff  }
0x4b: {  	v20 =	vmin.u32 v18, $0x869F;
	v1 =	vand.u32 $0xFFFF, v6;
	vm7 =	vlt.s32 v6, $0x10000;
	v9 =	vld.idx.msk [tilespmem:v9+s11+$0x0], $0xffff  }
0x4c: {  	v21 =	vmin.u32 v1, $0x869F;
	v2 =	vand.u32 $0xFFFF, v5;
	vm8 =	vlt.s32 v5, $0x10000;
	v11 =	vld.idx.msk [tilespmem:v11+s16+$0x0], $0xffff  }
0x4d: {  	v22 =	vand.u32 $0xFFFF, v4;
	vm6 =	vlt.s32 v4, $0x10000;
	v6 =	vld.idx.msk [tilespmem:v13+s16+$0x0], $0xffff;
	v13 =	vmin.u32 v2, $0x869F  }
0x4e: {  	v23 =	vmin.u32 v22, $0x869F;
	v7 =	vld.idx.msk [tilespmem:v12+s16+$0x0], $0xffff  }
0x4f: {  	v3 =	vsel vm1, v8, v3;
	vm1 =	vmmov vm7;
	v5 =	vld.idx.msk [tilespmem:v17+s16+$0x0], $0xffff  }
0x50: {  	v0 =	vsel vm0, v19, v0;
	vm0 =	vmmov vm8;
	v4 =	vld.idx.msk [tilespmem:v20+s16+$0x0], $0xffff;
	[tilespmem:s28+$0x10] =	vst v3  }
0x51: {  	vm7 =	vlt.s32 v14, $0x10000;
	v3 =	vld.idx.msk [tilespmem:v21+s16+$0x0], $0xffff;
	[tilespmem:s28+$0x20] =	vst v0  }
0x52: {  	v9 =	vsel vm7, v9, v11;
	s28 =	sadd.s32 $0x80, s28;
	v0 =	vld.idx.msk [tilespmem:v13+s16+$0x0], $0xffff  }
0x53: {  	v8 =	vld.idx.msk [tilespmem:v23+s16+$0x0], $0xffff;
	[tilespmem:s28+$0x30] =	vst v9  }
.Ltmp0:
0x54: {  	v12 =	vld.idx.msk [tilespmem:v22+s11+$0x0], $0xffff;
	(pc) =	sbr.rel @p1 .LBB2_4-.Ltmp0, $4  }
0x55: {  	v10 =	vld.idx.msk [tilespmem:v10+s11+$0x0], $0xffff  }
0x56: {  	v9 =	vld.idx.msk [tilespmem:v15+s11+$0x0], $0xffff  }
0x57: {  	v11 =	vld.idx.msk [tilespmem:v16+s11+$0x0], $0xffff  }
0x58: {  	s30 =	sadd.s32 $0x80, s30;
	v13 =	vld.idx.msk [tilespmem:v18+s11+$0x0], $0xffff  }
0x59: {  	_ =	sdelay $0x3  }
0x5a: {  	v8 =	vsel vm6, v12, v8;
	v1 =	vld.idx.msk [tilespmem:v1+s11+$0x0], $0xffff  }
0x5b: {  	v2 =	vld.idx.msk [tilespmem:v2+s11+$0x0], $0xffff;
	[tilespmem:s28+$0xFFFFFFC0] =	vst v8;
	v6 =	vsel vm2, v10, v6  }
0x5c: {  	[tilespmem:s28+$0xFFFFFFD0] =	vst v6;
	v6 =	vsel vm4, v9, v7  }
0x5d: {  	[tilespmem:s28+$0xFFFFFFE0] =	vst v6;
	v5 =	vsel vm5, v11, v5  }
0x5e: {  	[tilespmem:s28+$0xFFFFFFF0] =	vst v5;
	v4 =	vsel vm3, v13, v4  }
0x5f: {  	[tilespmem:s28+$0x0] =	vst v4;
	v1 =	vsel vm1, v1, v3  }
0x60: {  	s29 =	sshll.u32 s24, $0x12;
	p1 =	seq.s32 s24, $0xC;
	v0 =	vsel vm0, v2, v0;
	[tilespmem:s28+$0x10] =	vst v1  }
0x61: {  	s26 =	sadd.s32 @!p1 $0x2, s26;
	p2 =	seq.s32 @!p1 s24, $0x0;
	[tilespmem:s28+$0x20] =	vst v0;
	s28 =	sadd.s32 s29, s23  }
0x62: {  	[hbm4b:s28+s9] =	stream.strided.scatter [tilespmem:s17], [sflag:$0x3], $0x1000, s10, s9, $0x38;
	[tilespmem:$0x1E700] =	vst v63  }
0x63: {  	s30 =	simm.s32 @!p1 $0x2000;
	s29 =	simm.s32 @!p1 $0x400;
	s28 =	sshll.u32 @!p1 s26, $0xC  }
0x64: {  	s26 =	sshll.u32 @!p1 s26, $0x7;
	_ =	swait.ge [sflag:s18], $0x1000;
	s28 =	sand.u32 @!p1 $0x38000, s28  }
0x65: {  	s26 =	sand.u32 @!p1 $0x300, s26;
	[sflag:s18] =	ssyncset.done $0x0;
	s28 =	sadd.s32 @!p1 s28, s2  }
0x66: {  	[sflag:s18] =	ssyncadd.s32 $0xFFFFF000;
	s26 =	sadd.s32 @!p1 s26, s28;
	s28 =	simm.s32 @!p1 $0x80  }
0x67: {  	[tilespmem:s30], [sflag:$0x1] =	stream.strided.gather @!p1 [spmem:s26], $0x1000, s29, s28, $0x38;
	[tilespmem:$0x1E700] =	vst v63  }
0x68: {  	p1 =	por p1, !p2  }
0x69: {  	_ =	swait.ge @p1 [sflag:s21], $0x1000  }
0x6a: {  	[sflag:s21] =	ssyncset.done @p1 $0x0  }
0x6b: {  	s31 =	simm.s32 $0x3040;
	[sflag:s21] =	ssyncadd.s32 @p1 $0xFFFFF000  }
0x6c: {  	v9 =	vld [tilespmem:s31+$0x30]  }
0x6d: {  	v10 =	vld [tilespmem:s31+$0xFFFFFFD0]  }
0x6e: {  	v11 =	vld [tilespmem:s31+$0xFFFFFFE0]  }
0x6f: {  	v12 =	vld [tilespmem:s31+$0xFFFFFFF0];
	_ =	sdelay $0x1  }
0x70: {  	v0 =	vand.u32 $0xFFFF, v9  }
0x71: {  	v14 =	vld [tilespmem:s31+$0x0];
	v16 =	vand.u32 $0xFFFF, v10  }
0x72: {  	v15 =	vld [tilespmem:s31+$0x10];
	v19 =	vand.u32 $0xFFFF, v11  }
0x73: {  	v18 =	vld [tilespmem:s31+$0xFFFFFFC0];
	v20 =	vand.u32 $0xFFFF, v12  }
0x74: {  	v17 =	vld [tilespmem:s31+$0x20];
	v3 =	vmin.u32 v0, $0x869F  }
0x75: {  	v4 =	vmin.u32 v16, $0x869F;
	v22 =	vld.idx.msk [tilespmem:v0+s11+$0x0], $0xffff  }
0x76: {  	vm2 =	vlt.s32 v10, $0x10000;
	v5 =	vmin.u32 v19, $0x869F;
	v10 =	vld.idx.msk [tilespmem:v16+s11+$0x0], $0xffff  }
0x77: {  	v21 =	vand.u32 $0xFFFF, v14;
	vm0 =	vlt.s32 v9, $0x10000;
	v8 =	vmin.u32 v20, $0x869F;
	v9 =	vld.idx.msk [tilespmem:v19+s11+$0x0], $0xffff  }
0x78: {  	v24 =	vand.u32 $0xFFFF, v18;
	vm4 =	vlt.s32 v11, $0x10000;
	v13 =	vmin.u32 v21, $0x869F;
	v11 =	vld.idx.msk [tilespmem:v20+s11+$0x0], $0xffff  }
0x79: {  	v26 =	vmin.u32 v24, $0x869F;
	v23 =	vld.idx.msk [tilespmem:v3+s16+$0x0], $0xffff  }
0x7a: {  	v1 =	vand.u32 $0xFFFF, v15;
	v6 =	vld.idx.msk [tilespmem:v4+s16+$0x0], $0xffff  }
0x7b: {  	v2 =	vand.u32 $0xFFFF, v17;
	v0 =	vmin.u32 v1, $0x869F;
	v7 =	vld.idx.msk [tilespmem:v5+s16+$0x0], $0xffff  }
0x7c: {  	v25 =	vmin.u32 v2, $0x869F;
	v5 =	vld.idx.msk [tilespmem:v8+s16+$0x0], $0xffff  }
0x7d: {  	v4 =	vld.idx.msk [tilespmem:v13+s16+$0x0], $0xffff  }
0x7e: {  	v8 =	vld.idx.msk [tilespmem:v26+s16+$0x0], $0xffff  }
0x7f: {  	v13 =	vld.idx.msk [tilespmem:v24+s11+$0x0], $0xffff  }
0x80: {  	vm5 =	vlt.s32 v12, $0x10000;
	vm3 =	vlt.s32 v14, $0x10000;
	v3 =	vld.idx.msk [tilespmem:v0+s16+$0x0], $0xffff  }
0x81: {  	s26 =	simm.s32 $0x5040;
	vm1 =	vlt.s32 v15, $0x10000;
	vm7 =	vlt.s32 v17, $0x10000;
	v0 =	vld.idx.msk [tilespmem:v25+s16+$0x0], $0xffff;
	v12 =	vsel vm0, v22, v23  }
0x82: {  	s28 =	simm.s32 $0x0;
	s29 =	simm.s32 $0x30C0;
	vm6 =	vlt.s32 v18, $0x10000;
	vm1 =	vmmov vm1;
	vm0 =	vmmov vm7;
	[tilespmem:s26+$0x30] =	vst v12;
	v12 =	vld.idx.msk [tilespmem:v21+s11+$0x0], $0xffff  }
.LBB2_6:
0x83: {  	v14 =	vld [tilespmem:s29+$0x30];
	s28 =	sadd.s32 $0x8, s28  }
0x84: {  	v8 =	vsel vm6, v13, v8;
	v15 =	vld [tilespmem:s29+$0xFFFFFFD0];
	p1 =	slt.u32 s28, $0xF8  }
0x85: {  	v6 =	vsel vm2, v10, v6;
	v13 =	vld [tilespmem:s29+$0xFFFFFFE0];
	[tilespmem:s26+$0xFFFFFFC0] =	vst v8  }
0x86: {  	v8 =	vld [tilespmem:s29+$0xFFFFFFF0];
	[tilespmem:s26+$0xFFFFFFD0] =	vst v6;
	v6 =	vsel vm4, v9, v7  }
0x87: {  	v5 =	vsel vm5, v11, v5;
	v7 =	vld [tilespmem:s29+$0x0];
	[tilespmem:s26+$0xFFFFFFE0] =	vst v6  }
0x88: {  	v4 =	vsel vm3, v12, v4;
	v6 =	vld [tilespmem:s29+$0x10];
	v9 =	vand.u32 $0xFFFF, v14;
	[tilespmem:s26+$0xFFFFFFF0] =	vst v5  }
0x89: {  	v10 =	vand.u32 $0xFFFF, v15;
	vm2 =	vlt.s32 v15, $0x10000;
	v5 =	vld [tilespmem:s29+$0x20];
	v11 =	vmin.u32 v9, $0x869F;
	[tilespmem:s26+$0x0] =	vst v4  }
0x8a: {  	v4 =	vld [tilespmem:s29+$0xFFFFFFC0];
	v12 =	vmin.u32 v10, $0x869F;
	v15 =	vand.u32 $0xFFFF, v13;
	vm4 =	vlt.s32 v13, $0x10000  }
0x8b: {  	v13 =	vmin.u32 v15, $0x869F;
	v16 =	vand.u32 $0xFFFF, v8;
	vm5 =	vlt.s32 v8, $0x10000;
	v8 =	vld.idx.msk [tilespmem:v1+s11+$0x0], $0xffff  }
0x8c: {  	v17 =	vmin.u32 v16, $0x869F;
	v18 =	vand.u32 $0xFFFF, v7;
	vm3 =	vlt.s32 v7, $0x10000;
	v19 =	vld.idx.msk [tilespmem:v2+s11+$0x0], $0xffff  }
0x8d: {  	v20 =	vmin.u32 v18, $0x869F;
	v1 =	vand.u32 $0xFFFF, v6;
	vm7 =	vlt.s32 v6, $0x10000;
	v9 =	vld.idx.msk [tilespmem:v9+s11+$0x0], $0xffff  }
0x8e: {  	v21 =	vmin.u32 v1, $0x869F;
	v2 =	vand.u32 $0xFFFF, v5;
	vm8 =	vlt.s32 v5, $0x10000;
	v11 =	vld.idx.msk [tilespmem:v11+s16+$0x0], $0xffff  }
0x8f: {  	v22 =	vand.u32 $0xFFFF, v4;
	vm6 =	vlt.s32 v4, $0x10000;
	v6 =	vld.idx.msk [tilespmem:v12+s16+$0x0], $0xffff;
	v12 =	vmin.u32 v2, $0x869F  }
0x90: {  	v23 =	vmin.u32 v22, $0x869F;
	v7 =	vld.idx.msk [tilespmem:v13+s16+$0x0], $0xffff  }
0x91: {  	v3 =	vsel vm1, v8, v3;
	vm1 =	vmmov vm7;
	v5 =	vld.idx.msk [tilespmem:v17+s16+$0x0], $0xffff  }
0x92: {  	v0 =	vsel vm0, v19, v0;
	vm0 =	vmmov vm8;
	v4 =	vld.idx.msk [tilespmem:v20+s16+$0x0], $0xffff;
	[tilespmem:s26+$0x10] =	vst v3  }
0x93: {  	vm7 =	vlt.s32 v14, $0x10000;
	v3 =	vld.idx.msk [tilespmem:v21+s16+$0x0], $0xffff;
	[tilespmem:s26+$0x20] =	vst v0  }
0x94: {  	v9 =	vsel vm7, v9, v11;
	s26 =	sadd.s32 $0x80, s26;
	v0 =	vld.idx.msk [tilespmem:v12+s16+$0x0], $0xffff  }
0x95: {  	v8 =	vld.idx.msk [tilespmem:v23+s16+$0x0], $0xffff;
	[tilespmem:s26+$0x30] =	vst v9  }
.Ltmp1:
0x96: {  	v13 =	vld.idx.msk [tilespmem:v22+s11+$0x0], $0xffff;
	(pc) =	sbr.rel @p1 .LBB2_6-.Ltmp1, $4  }
0x97: {  	v10 =	vld.idx.msk [tilespmem:v10+s11+$0x0], $0xffff  }
0x98: {  	v9 =	vld.idx.msk [tilespmem:v15+s11+$0x0], $0xffff  }
0x99: {  	v11 =	vld.idx.msk [tilespmem:v16+s11+$0x0], $0xffff  }
0x9a: {  	s29 =	sadd.s32 $0x80, s29;
	v12 =	vld.idx.msk [tilespmem:v18+s11+$0x0], $0xffff  }
0x9b: {  	_ =	sdelay $0x3  }
0x9c: {  	v8 =	vsel vm6, v13, v8;
	v1 =	vld.idx.msk [tilespmem:v1+s11+$0x0], $0xffff  }
0x9d: {  	v2 =	vld.idx.msk [tilespmem:v2+s11+$0x0], $0xffff;
	[tilespmem:s26+$0xFFFFFFC0] =	vst v8;
	v6 =	vsel vm2, v10, v6  }
0x9e: {  	s24 =	sadd.s32 $0x1, s24;
	[tilespmem:s26+$0xFFFFFFD0] =	vst v6;
	v63 =	vsel vm4, v9, v7  }
0x9f: {  	p1 =	sne.s32 s24, $0xD;
	[tilespmem:s26+$0xFFFFFFE0] =	vst v63;
	v5 =	vsel vm5, v11, v5  }
.Ltmp2:
0xa0: {  	[tilespmem:s26+$0xFFFFFFF0] =	vst v5;
	v4 =	vsel vm3, v12, v4;
	(pc) =	sbr.rel @p1 .LBB2_3-.Ltmp2, $4  }
0xa1: {  	[tilespmem:s26+$0x0] =	vst v4;
	v1 =	vsel vm1, v1, v3  }
0xa2: {  	s25 =	sshll.u32 s25, $0x11;
	v0 =	vsel vm0, v2, v0;
	[tilespmem:s26+$0x10] =	vst v1  }
0xa3: {  	s25 =	sadd.s32 s25, s23;
	[tilespmem:s26+$0x20] =	vst v0  }
0xa4: {  	[hbm4b:s25+s9] =	stream.strided.scatter [tilespmem:s19], [sflag:$0x4], $0x1000, s10, s9, $0x38;
	[tilespmem:$0x1E700] =	vst v63  }
0xa5: {  	s22 =	sadd.s32 $0x1, s22  }
0xa6: {  	_ =	swait.ge [sflag:s20], $0x1000;
	p1 =	sne.s32 s22, $0x8  }
.Ltmp3:
0xa7: {  	[sflag:s20] =	ssyncset.done $0x0;
	(pc) =	sbr.rel @p1 .LBB2_2-.Ltmp3, $4  }
0xa8: {  	[sflag:s20] =	ssyncadd.s32 $0xFFFFF000  }
0xa9: {  	_ =	swait.ge [sflag:s21], $0x1000  }
0xaa: {  	[sflag:s21] =	ssyncset.done $0x0  }
0xab: {  	[sflag:s21] =	ssyncadd.s32 $0xFFFFF000  }
0xac: {  	s3 =	sadd.s32 $0x1, s3  }
0xad: {  	p1 =	sne.s32 s3, s7  }
.Ltmp4:
0xae: {  	_ = 	snop;
	(pc) =	sbr.rel @p1 .LBB2_1-.Ltmp4, $1  }
0xaf: {  	_ =	sdelay $0x3  }
0xb0: {  	_ =	sfence.sel $0x180000  }
0xb1: {  	[bflag:$0x0] =	sbarrier.arrive $0xFFFF  }
0xb2: {  	_ =	strace $0x90000047  }
0xb3: {  	s0 =	sadd.s32 @!p0 $0x100000, s0;
	[bflag:$0x2] =	sbarrier.arrive $0xFFFF  }
0xb4: {  	[sflag:s0] =	ssyncadd.tile.s32 @!p0 $0x1;
	_ =	shalt  }
.Lfunc_end2:
_tile_overlayer_lowered:
.L_overlay_start_2:
0xb5: {  	(tag) =	ssettag $0x2  }
0xb6: {  	s0 =	rddreg [dreg:$0x0];
	s2 =	stileid.u32  }
0xb7: {  	s1 =	rddreg [dreg:$0x1];
	p0 =	sne.s32 s2, $0x0  }
0xb8: {  	s3 =	rddreg [dreg:$0x2];
	[bflag:$0x3] =	sbarrier.arrive $0xFFFF;
	s2 =	simm.s32 @!p0 $0x1C05  }
0xb9: {  	[timem:s3], [sflag:s2] =	dma.local @!p0 [hbm:s0], s1  }
0xba: {  	s0 =	simm.s32 @!p0 $0x5  }
0xbb: {  	_ =	swait.ge @!p0 [sflag:s0], s1  }
0xbc: {  	s1 =	ssub.s32 @!p0 $0x0, s1;
	[sflag:s0] =	ssyncset.done @!p0 $0x0  }
0xbd: {  	[sflag:s0] =	ssyncadd.s32 @!p0 s1  }
0xbe: {  	[bflag:$0x3] =	sbarrier.arrive $0xFFFF  }
0xbf: {  	_ =	shalt  }

</sc_bundles>
